<compile_context>
chip_gen: v7x
topology: tpu7x:2x2x1
jax: 0.10.2.dev20260603
libtpu: 0.0.44.dev20260713+nightly
codegen_flags: <defaults>
</compile_context>

<pallas_src>
import jax
import jax.numpy as jnp
from jax import lax
from jax.experimental import pallas as pl
from jax.experimental.pallas import tpu as pltpu
from jax.experimental.pallas import tpu_sc as plsc

LANES = 128
H = 224
WD = 224
V = H * WD
EROW = (H - 1) * WD
E = 2 * EROW
LOGN = 17
NPAD = 1 << LOGN
CHUNK = E // 4
NGROUP = CHUNK // 16
RING = 8192
RINGM = RING - 1
OUTW = 102400


def _edge_weights_xla(g):
    B = g.shape[0]
    wr = jnp.linalg.norm(g[:, :, :-1, :] - g[:, :, 1:, :], axis=1).reshape(B, -1)
    wc = jnp.linalg.norm(g[:, :, :, :-1] - g[:, :, :, 1:], axis=1).reshape(B, -1)
    return jnp.concatenate([wr, wc], axis=1)



def _cmpex(kv, iv, fi, p, k):
    A, B = kv.shape
    D = 1 << p
    G = A // (2 * D)
    DB = D * B
    k3 = kv.reshape(G, 2, DB)
    i3 = iv.reshape(G, 2, DB)
    a_k, b_k = k3[:, 0], k3[:, 1]
    a_i, b_i = i3[:, 0], i3[:, 1]
    asc_i = (fi.reshape(G, 2, DB)[:, 0] >> k) & 1
    gt = (a_k > b_k) | ((a_k == b_k) & (a_i > b_i))
    gt_i = jnp.where(gt, 1, 0)
    swap = (gt_i ^ asc_i) == 1
    lo_k = jnp.where(swap, b_k, a_k)
    hi_k = jnp.where(swap, a_k, b_k)
    lo_i = jnp.where(swap, b_i, a_i)
    hi_i = jnp.where(swap, a_i, b_i)
    kv = jnp.concatenate([lo_k[:, None], hi_k[:, None]], axis=1).reshape(A, B)
    iv = jnp.concatenate([lo_i[:, None], hi_i[:, None]], axis=1).reshape(A, B)
    return kv, iv


def _sort_body(key_ref, idx_ref):
    R = 1 << (LOGN - 7)
    kv = key_ref[0]
    fi_rm = (lax.broadcasted_iota(jnp.int32, (R, LANES), 0) * LANES
             + lax.broadcasted_iota(jnp.int32, (R, LANES), 1))
    fi_t = (lax.broadcasted_iota(jnp.int32, (LANES, R), 1) * LANES
            + lax.broadcasted_iota(jnp.int32, (LANES, R), 0))
    iv = fi_rm
    in_t = False
    for k in range(1, LOGN + 1):
        for j in range(k - 1, -1, -1):
            need_t = j < 7
            if need_t != in_t:
                kv = kv.T
                iv = iv.T
                in_t = need_t
            if in_t:
                kv, iv = _cmpex(kv, iv, fi_t, j, k)
            else:
                kv, iv = _cmpex(kv, iv, fi_rm, j - 7, k)
    if in_t:
        kv = kv.T
        iv = iv.T
    idx_ref[0] = iv


def _bitonic_argsort(keys):
    B = keys.shape[0]
    R = NPAD // LANES
    out = pl.pallas_call(
        _sort_body,
        grid=(B,),
        in_specs=[pl.BlockSpec((1, R, LANES), lambda b: (b, 0, 0))],
        out_specs=pl.BlockSpec((1, R, LANES), lambda b: (b, 0, 0)),
        out_shape=jax.ShapeDtypeStruct((B, R, LANES), jnp.int32),
    )(keys.reshape(B, R, LANES))
    return out.reshape(B, NPAD)



def _count(mask_vec):
    return plsc.all_reduce_population_count(mask_vec)[0]


def _mst_sc_body(sorted_hbm, out_hbm, parent, buf, outbuf, lnb, mark):
    cid = lax.axis_index("c")
    sid = lax.axis_index("s")

    @pl.when(sid == 0)
    def _work():
        b = cid

        def init_body(i, _):
            base = i * 16
            parent[pl.ds(base, 16)] = lax.iota(jnp.int32, 16) + base
            return 0

        lax.fori_loop(0, V // 16, init_body, 0)

        def vhalve(x0):
            def body(i, x):
                p = plsc.load_gather(parent, [x])
                pp = plsc.load_gather(parent, [p])
                plsc.store_scatter(parent, [x], pp)
                return pp

            return lax.fori_loop(0, 4, body, x0)

        def _pget(r):
            return plsc.load_gather(parent, [jnp.full((16,), r, jnp.int32)])[0]

        def sfind(r0):
            def cond(c):
                return c[1] != c[0]

            def body(c):
                _, p = c
                return (p, _pget(p))

            r, _ = lax.while_loop(cond, body, (r0, _pget(r0)))
            return r

        def group_body(gg, g, carry):
            w, f = carry
            e = buf[pl.ds(g * 16, 16)]
            e = jnp.minimum(jnp.maximum(e, 0), E - 1)
            is_row = e < EROW
            t = e - EROW
            r = lax.shift_right_logical(t * jnp.int32(75235), 24)
            u = jnp.where(is_row, e, t + r)
            v = jnp.where(is_row, e + WD, t + r + 1)
            ru = vhalve(u)
            rv = vhalve(v)
            lane = lax.iota(jnp.int32, 16)
            take_i = jnp.where(ru != rv, 1, 0)
            srt = jnp.sort(take_i)
            any_take = srt[15] != 0
            all_take = srt[0] != 0
            tag = gg * 32 + lane
            hru = ru & RINGM
            hrv = rv & RINGM
            plsc.store_scatter(mark, [hru], tag)
            plsc.store_scatter(mark, [hrv], tag + 16)
            oku = plsc.load_gather(mark, [hru]) == tag
            okv = plsc.load_gather(mark, [hrv]) == (tag + 16)
            rooted = (plsc.load_gather(parent, [ru]) == ru) & (
                plsc.load_gather(parent, [rv]) == rv)
            indep_i = jnp.where(oku & okv & rooted, 1, 0)
            indep = (jnp.sort(indep_i)[0] != 0) & all_take

            def lane_body(k, wk):
                kk = jnp.full((16,), k, jnp.int32)
                ruk = plsc.load_gather(lnb, [kk + 32])[0]
                rvk = plsc.load_gather(lnb, [kk + 48])[0]

                def maybe_union(wi):
                    r1 = sfind(ruk)
                    r2 = sfind(rvk)
                    take = r1 != r2

                    @pl.when(take)
                    def _union():
                        uk = plsc.load_gather(lnb, [kk])[0]
                        vk = plsc.load_gather(lnb, [kk + 16])[0]
                        plsc.store_scatter(
                            parent, [jnp.full((16,), r1, jnp.int32)],
                            jnp.full((16,), r2, jnp.int32), mask=lane == 0)
                        plsc.store_scatter(
                            outbuf, [(wi + lane) & RINGM],
                            jnp.where(lane == 0, uk, vk), mask=lane < 2)

                    return wi + 2 * take.astype(jnp.int32)

                return lax.cond(ruk != rvk, maybe_union, lambda wi: wi, wk)

            def fast_apply(wi):
                plsc.store_scatter(parent, [ru], rv)
                plsc.store_scatter(outbuf, [(wi + 2 * lane) & RINGM], u)
                plsc.store_scatter(outbuf, [(wi + 2 * lane + 1) & RINGM], v)
                return wi + 32

            def serial_apply(wi):
                lnb[pl.ds(0, 16)] = u
                lnb[pl.ds(16, 16)] = v
                lnb[pl.ds(32, 16)] = ru
                lnb[pl.ds(48, 16)] = rv
                return lax.fori_loop(0, 16, lane_body, wi)

            def dispatch(wi):
                return lax.cond(indep, fast_apply, serial_apply, wi)

            w = lax.cond(any_take, dispatch, lambda wi: wi, w)
            need_flush = w - f >= 4096

            @pl.when(need_flush)
            def _flush(fi=f):
                pltpu.sync_copy(
                    outbuf.at[pl.ds(pl.multiple_of(fi & RINGM, 8), 4096)],
                    out_hbm.at[pl.ds(pl.multiple_of(b * OUTW + fi, 8), 4096)])

            f = jnp.where(need_flush, f + 4096, f)
            return (w, f)

        def chunk_body(ci, carry):
            pltpu.sync_copy(
                sorted_hbm.at[pl.ds(pl.multiple_of(b * NPAD + ci * CHUNK, 8),
                                    CHUNK)], buf)
            w0, f0 = carry

            def gcond(st):
                g, wg, _ = st
                return (g < NGROUP) & (wg < 2 * (V - 1))

            def gbody(st):
                g, wg, fg = st
                wg, fg = group_body(ci * NGROUP + g, g, (wg, fg))
                return (g + 1, wg, fg)

            _, w1, f1 = lax.while_loop(gcond, gbody, (jnp.int32(0), w0, f0))
            return (w1, f1)

        w, f = lax.fori_loop(0, 4, chunk_body,
                             (jnp.int32(0), jnp.int32(0)))

        @pl.when(w > f)
        def _tail():
            pltpu.sync_copy(
                outbuf.at[pl.ds(pl.multiple_of(f & RINGM, 8), 4096)],
                out_hbm.at[pl.ds(pl.multiple_of(b * OUTW + f, 8), 4096)])


def _mst_sc(sorted_idx):
    B = sorted_idx.shape[0]
    mesh = plsc.VectorSubcoreMesh(core_axis_name="c", subcore_axis_name="s")
    run = pl.kernel(
        _mst_sc_body,
        mesh=mesh,
        compiler_params=pltpu.CompilerParams(needs_layout_passes=False),
        out_type=jax.ShapeDtypeStruct((B * OUTW,), jnp.int32),
        scratch_types=[
            pltpu.VMEM((V,), jnp.int32),
            pltpu.VMEM((CHUNK,), jnp.int32),
            pltpu.VMEM((RING,), jnp.int32),
            pltpu.VMEM((64,), jnp.int32),
            pltpu.VMEM((RING,), jnp.int32),
        ],
    )
    flat = run(sorted_idx.reshape(B * NPAD))
    return flat.reshape(B, OUTW)[:, :2 * (V - 1)].reshape(B, V - 1, 2)



def kernel(guide_in):
    B = guide_in.shape[0]
    weight = _edge_weights_xla(guide_in)
    keys = jnp.pad(weight, ((0, 0), (0, NPAD - E)),
                   constant_values=jnp.inf)
    order = jnp.argsort(keys, axis=1, stable=True).astype(jnp.int32)
    return _mst_sc(order).astype(jnp.int32)

# --- scband reference (transcript-rebuilt; emitter-appended) ---
"""Pipeline reference for scband-minimum-spanning-tree-11982958756210 (READ-ONLY COPY).

The authoritative reference and input builder live on the scoring server;
editing this copy changes nothing except your own understanding.
"""

import jax, jax.numpy as jnp
from jax import lax
import numpy as np


def _build_matrix_index(H, W):
    # mirrors MinimumSpanningTree._build_matrix_index (single batch; expanded later)
    raw = np.arange(H * W, dtype=np.int32).reshape(H, W)
    row_index = np.stack([raw[:-1, :], raw[1:, :]], axis=2).reshape(-1, 2)
    col_index = np.stack([raw[:, :-1], raw[:, 1:]], axis=2).reshape(-1, 2)
    return np.concatenate([row_index, col_index], axis=0)  # [E, 2]


def _kruskal_mst(edges_np, weights_np, num_vertices):
    # faithful CPU replacement for _C.mst_forward: returns the V-1 selected
    # edges (as vertex pairs) of the minimum spanning tree, in order of
    # increasing weight (Kruskal with union-find, path halving).
    order = np.argsort(weights_np, kind='stable')
    parent = np.arange(num_vertices, dtype=np.int64)

    def find(x):
        while parent[x] != x:
            parent[x] = parent[parent[x]]
            x = parent[x]
        return x

    out = np.empty((num_vertices - 1, 2), dtype=np.int32)
    cnt = 0
    for ei in order:
        u = int(edges_np[ei, 0]); v = int(edges_np[ei, 1])
        ru = find(u); rv = find(v)
        if ru != rv:
            parent[ru] = rv
            out[cnt, 0] = edges_np[ei, 0]
            out[cnt, 1] = edges_np[ei, 1]
            cnt += 1
            if cnt == num_vertices - 1:
                break
    return out


def _kruskal_mst_traced(edges, weights, num_vertices):
    # traceable Kruskal: same stable ordering, same path-halving find,
    # same union rule (parent[ru] = rv), same early stop at V-1 edges.
    E = edges.shape[0]
    order = jnp.argsort(weights, stable=True)
    parent0 = jnp.arange(num_vertices, dtype=jnp.int32)
    out0 = jnp.zeros((num_vertices - 1, 2), dtype=jnp.int32)

    def find(x, parent):
        def cond(c):
            xi, p = c
            return p[xi] != xi

        def body(c):
            xi, p = c
            p = p.at[xi].set(p[p[xi]])
            return p[xi], p

        return lax.while_loop(cond, body, (x, parent))

    def loop_cond(state):
        i, cnt, parent, out = state
        return (i < E) & (cnt < num_vertices - 1)

    def loop_body(state):
        i, cnt, parent, out = state
        ei = order[i]
        u = edges[ei, 0]
        v = edges[ei, 1]
        ru, parent = find(u, parent)
        rv, parent = find(v, parent)
        take = ru != rv
        parent = jnp.where(take, parent.at[ru].set(rv), parent)
        out = jnp.where(take, out.at[cnt].set(edges[ei]), out)
        cnt = cnt + take.astype(cnt.dtype)
        return i + jnp.int32(1), cnt, parent, out

    state0 = (jnp.int32(0), jnp.int32(0), parent0, out0)
    _, _, _, out = lax.while_loop(loop_cond, loop_body, state0)
    return out


def _distance_func(a, b):
    # typical distance_func used with this module: L2 norm over channel dim
    return jnp.linalg.norm(a - b, axis=1)


def setup_inputs(seed: int = 0) -> dict:
    key = jax.random.key(seed)
    guide_in = jax.random.normal(key, (2, 96, 224, 224), dtype=jnp.float32)
    return {"guide_in": guide_in}


def reference(guide_in):
    B, C, H, W = guide_in.shape
    # _build_feature_weight
    weight_row = _distance_func(guide_in[:, :, :-1, :], guide_in[:, :, 1:, :]).reshape(B, -1)
    weight_col = _distance_func(guide_in[:, :, :, :-1], guide_in[:, :, :, 1:]).reshape(B, -1)
    weight = jnp.concatenate([weight_row, weight_col], axis=1)  # [B, E]
    # _build_matrix_index (same for every batch element)
    edges = jnp.asarray(_build_matrix_index(H, W))  # [E, 2] int32
    V = H * W
    trees = jnp.stack([_kruskal_mst_traced(edges, weight[b], V) for b in range(B)], axis=0)
    return trees.astype(jnp.int32)  # [B, V-1, 2]

if __name__ == "__main__":
    import jax
    _d = setup_inputs()
    print(jax.jit(kernel)(*tuple(_d.values())))

</pallas_src>

<mosaic_0001>
#map = affine_map<(d0, d1) -> (0)>
module attributes {stable_mosaic.version = 14 : i64} {
  func.func @_mst_sc_body(%arg0: i32, %arg1: i32, %arg2: memref<262144xi32, #tpu.memory_space<hbm>>, %arg3: memref<204800xi32, #tpu.memory_space<hbm>>, %arg4: memref<50176xi32, #tpu.memory_space<vmem>>, %arg5: memref<24976xi32, #tpu.memory_space<vmem>>, %arg6: memref<8192xi32, #tpu.memory_space<vmem>>, %arg7: memref<64xi32, #tpu.memory_space<vmem>>, %arg8: memref<8192xi32, #tpu.memory_space<vmem>>) attributes {dimension_semantics = [#tpu.dimension_semantics<core_parallel>, #tpu.dimension_semantics<subcore_parallel>], iteration_bounds = array<i64: 2, 16>, scalar_prefetch = 0 : i64, scratch_operands = 5 : i64, tpu.core_type = #tpu.core_type<sc_vector_subcore>, window_params = [{transform_indices = #map}, {transform_indices = #map}]} {
    %eq3A = arith.constant 0 : i32
    %eq3A_0 = arith.cmpi eq, %arg1, %eq3A : i32
    %convert_element_type3A = arith.extui %eq3A_0 : i1 to i32
    %cond3A = arith.constant 0 : i32
    %cond3A_1 = arith.cmpi ne, %convert_element_type3A, %cond3A : i32
    scf.if %cond3A_1 {
      %scan3A = arith.constant 0 : i32
      %scan3A_2 = arith.constant 0 : i32
      %scan3A_3 = arith.constant 3136 : i32
      %scan3A_4 = arith.addi %scan3A_2, %scan3A_3 : i32
      %scan3A_5 = arith.constant 1 : i32
      %scan3A_6 = scf.for %scan3A_19 = %scan3A_2 to %scan3A_4 step %scan3A_5 iter_args(%scan3A_20 = %scan3A) -> (i32)  : i32 {
        %mul3A = arith.constant 16 : i32
        %mul3A_21 = arith.muli %scan3A_19, %mul3A : i32
        %iota3A = tpu.iota {dimensions = array<i32: 0>} : vector<16xi32>
        %add3A = vector.broadcast %mul3A_21 : i32 to vector<16xi32>
        %add3A_22 = arith.addi %iota3A, %add3A : vector<16xi32>
        %swap3A = arith.index_cast %mul3A_21 : i32 to index
        %swap3A_23 = tpu.vector_load %arg4[%swap3A] {strides = array<i32>} : memref<50176xi32, #tpu.memory_space<vmem>>, vector<16xi32>,
        tpu.vector_store %arg4[%swap3A], %add3A_22 {strides = array<i32>} : memref<50176xi32, #tpu.memory_space<vmem>>, vector<16xi32>,
        %scan3A_24 = arith.constant 0 : i32
        scf.yield %scan3A_24 : i32
      }
      %scan3A_7 = arith.constant 3136 : i32
      %scan3A_8 = arith.constant 0 : i32
      %scan3A_9 = arith.constant 0 : i32
      %scan3A_10 = arith.constant 0 : i32
      %scan3A_11 = arith.constant 4 : i32
      %scan3A_12 = arith.addi %scan3A_10, %scan3A_11 : i32
      %scan3A_13 = arith.constant 1 : i32
      %scan3A_14:2 = scf.for %scan3A_19 = %scan3A_10 to %scan3A_12 step %scan3A_13 iter_args(%scan3A_20 = %scan3A_8, %scan3A_21 = %scan3A_9) -> (i32, i32)  : i32 {
        %mul3A = arith.constant 131072 : i32
        %mul3A_22 = arith.muli %arg0, %mul3A : i32
        %mul3A_23 = arith.constant 24976 : i32
        %mul3A_24 = arith.muli %scan3A_19, %mul3A_23 : i32
        %add3A = arith.addi %mul3A_22, %mul3A_24 : i32
        %multiple_of3A = tpu.assume_multiple %add3A, 8 : i32
        "tpu.region"() ({
          %run_scoped3A = tpu.sem_alloc : memref<!tpu.dma_semaphore, #tpu.memory_space<semaphore_mem>>
          %dma_start3A = tpu.memref_slice %arg2[%multiple_of3A] : memref<262144xi32, #tpu.memory_space<hbm>> -> memref<24976xi32, #tpu.memory_space<hbm>>
          %dma_start3A_26 = tpu.memref_slice %arg2[%multiple_of3A] : memref<262144xi32, #tpu.memory_space<hbm>> -> memref<24976xi32, #tpu.memory_space<hbm>>
          tpu.enqueue_dma source(%dma_start3A_26 : memref<24976xi32, #tpu.memory_space<hbm>>) target(%arg5 : memref<24976xi32, #tpu.memory_space<vmem>>) target_semaphore(%run_scoped3A : memref<!tpu.dma_semaphore, #tpu.memory_space<semaphore_mem>>)
          %dma_wait3A = tpu.memref_slice %arg2[%multiple_of3A] : memref<262144xi32, #tpu.memory_space<hbm>> -> memref<24976xi32, #tpu.memory_space<hbm>>
          %dma_wait3A_27 = tpu.memref_slice %arg2[%multiple_of3A] : memref<262144xi32, #tpu.memory_space<hbm>> -> memref<24976xi32, #tpu.memory_space<hbm>>
          tpu.wait_dma2 semaphore(%run_scoped3A : memref<!tpu.dma_semaphore, #tpu.memory_space<semaphore_mem>>) src(%dma_wait3A_27 : memref<24976xi32, #tpu.memory_space<hbm>>) dst(%arg5 : memref<24976xi32, #tpu.memory_space<vmem>>)
          tpu.yield
        }) : () -> ()
        %while3A = arith.constant 0 : i32
        %while3A_25:3 = scf.while (%while3A_26 = %while3A, %while3A_27 = %scan3A_20, %while3A_28 = %scan3A_21) : (i32, i32, i32) -> (i32, i32, i32) {
          %lt3A = arith.constant 1561 : i32
          %lt3A_29 = arith.cmpi slt, %while3A_26, %lt3A : i32
          %lt3A_30 = arith.constant 100350 : i32
          %lt3A_31 = arith.cmpi slt, %while3A_27, %lt3A_30 : i32
          %and3A = arith.andi %lt3A_29, %lt3A_31 : i1
          scf.condition(%and3A) %while3A_26, %while3A_27, %while3A_28 : i32, i32, i32
        } do {
        ^bb0(%while3A_26: i32, %while3A_27: i32, %while3A_28: i32):
          %mul3A_29 = arith.constant 1561 : i32
          %mul3A_30 = arith.muli %scan3A_19, %mul3A_29 : i32
          %add3A_31 = arith.addi %mul3A_30, %while3A_26 : i32
          %mul3A_32 = arith.constant 16 : i32
          %mul3A_33 = arith.muli %while3A_26, %mul3A_32 : i32
          %get3A = arith.index_cast %mul3A_33 : i32 to index
          %get3A_34 = tpu.vector_load %arg5[%get3A] {strides = array<i32>} : memref<24976xi32, #tpu.memory_space<vmem>>, vector<16xi32>,
          %max3A = arith.constant 0 : i32
          %max3A_35 = vector.broadcast %max3A : i32 to vector<16xi32>
          %max3A_36 = arith.maxsi %get3A_34, %max3A_35 : vector<16xi32>
          %min3A = arith.constant 99903 : i32
          %min3A_37 = vector.broadcast %min3A : i32 to vector<16xi32>
          %min3A_38 = arith.minsi %max3A_36, %min3A_37 : vector<16xi32>
          %lt3A = arith.constant 49952 : i32
          %lt3A_39 = vector.broadcast %lt3A : i32 to vector<16xi32>
          %lt3A_40 = arith.cmpi slt, %min3A_38, %lt3A_39 : vector<16xi32>
          %sub3A = arith.constant 49952 : i32
          %sub3A_41 = vector.broadcast %sub3A : i32 to vector<16xi32>
          %sub3A_42 = arith.subi %min3A_38, %sub3A_41 : vector<16xi32>
          %mul3A_43 = arith.constant 75235 : i32
          %mul3A_44 = vector.broadcast %mul3A_43 : i32 to vector<16xi32>
          %mul3A_45 = arith.muli %sub3A_42, %mul3A_44 : vector<16xi32>
          %shift_right_logical3A = arith.constant 24 : i32
          %shift_right_logical3A_46 = vector.broadcast %shift_right_logical3A : i32 to vector<16xi32>
          %shift_right_logical3A_47 = arith.shrui %mul3A_45, %shift_right_logical3A_46 : vector<16xi32>
          %add3A_48 = arith.addi %sub3A_42, %shift_right_logical3A_47 : vector<16xi32>
          %select_n3A = arith.select %lt3A_40, %min3A_38, %add3A_48 : vector<16xi1>, vector<16xi32>
          %add3A_49 = arith.constant 224 : i32
          %add3A_50 = vector.broadcast %add3A_49 : i32 to vector<16xi32>
          %add3A_51 = arith.addi %min3A_38, %add3A_50 : vector<16xi32>
          %add3A_52 = arith.addi %sub3A_42, %shift_right_logical3A_47 : vector<16xi32>
          %add3A_53 = arith.constant 1 : i32
          %add3A_54 = vector.broadcast %add3A_53 : i32 to vector<16xi32>
          %add3A_55 = arith.addi %add3A_52, %add3A_54 : vector<16xi32>
          %select_n3A_56 = arith.select %lt3A_40, %add3A_51, %add3A_55 : vector<16xi1>, vector<16xi32>
          %scan3A_57 = arith.constant 0 : i32
          %scan3A_58 = arith.constant 4 : i32
          %scan3A_59 = arith.addi %scan3A_57, %scan3A_58 : i32
          %scan3A_60 = arith.constant 1 : i32
          %scan3A_61 = scf.for %scan3A_134 = %scan3A_57 to %scan3A_59 step %scan3A_60 iter_args(%scan3A_135 = %select_n3A) -> (vector<16xi32>)  : i32 {
            %gather3A_136 = tpu.vector_load_idx %arg4[%scan3A_135] : memref<50176xi32, #tpu.memory_space<vmem>>[vector<16xi32>], vector<16xi32>,
            %gather3A_137 = tpu.vector_load_idx %arg4[%gather3A_136] : memref<50176xi32, #tpu.memory_space<vmem>>[vector<16xi32>], vector<16xi32>,
            tpu.vector_store_idx %arg4[%scan3A_135], %gather3A_137 : memref<50176xi32, #tpu.memory_space<vmem>>[vector<16xi32>], vector<16xi32>,
            scf.yield %gather3A_137 : vector<16xi32>
          }
          %scan3A_62 = arith.constant 4 : i32
          %scan3A_63 = arith.constant 0 : i32
          %scan3A_64 = arith.constant 4 : i32
          %scan3A_65 = arith.addi %scan3A_63, %scan3A_64 : i32
          %scan3A_66 = arith.constant 1 : i32
          %scan3A_67 = scf.for %scan3A_134 = %scan3A_63 to %scan3A_65 step %scan3A_66 iter_args(%scan3A_135 = %select_n3A_56) -> (vector<16xi32>)  : i32 {
            %gather3A_136 = tpu.vector_load_idx %arg4[%scan3A_135] : memref<50176xi32, #tpu.memory_space<vmem>>[vector<16xi32>], vector<16xi32>,
            %gather3A_137 = tpu.vector_load_idx %arg4[%gather3A_136] : memref<50176xi32, #tpu.memory_space<vmem>>[vector<16xi32>], vector<16xi32>,
            tpu.vector_store_idx %arg4[%scan3A_135], %gather3A_137 : memref<50176xi32, #tpu.memory_space<vmem>>[vector<16xi32>], vector<16xi32>,
            scf.yield %gather3A_137 : vector<16xi32>
          }
          %scan3A_68 = arith.constant 4 : i32
          %iota3A = tpu.iota {dimensions = array<i32: 0>} : vector<16xi32>
          %ne3A = arith.cmpi ne, %scan3A_61, %scan3A_67 : vector<16xi32>
          %jit3A = arith.constant 1 : i32
          %jit3A_69 = arith.constant 0 : i32
          %broadcast_in_dim3A = vector.broadcast %jit3A : i32 to vector<16xi32>
          %broadcast_in_dim3A_70 = vector.broadcast %jit3A_69 : i32 to vector<16xi32>
          %select_n3A_71 = arith.select %ne3A, %broadcast_in_dim3A, %broadcast_in_dim3A_70 : vector<16xi1>, vector<16xi32>
          %sort3A = arith.constant dense<true> : vector<16xi1>
          %sort3A_72, %sort3A_73, %sort3A_74 = tpu.sort %select_n3A_71, %select_n3A_71 masked %sort3A : (vector<16xi32>, vector<16xi32>, vector<16xi1>) -> (vector<16xi1>, vector<16xi32>, vector<16xi32>)
          %slice3A = vector.extract_strided_slice %sort3A_73 {offsets = [15], sizes = [1], strides = [1]} : vector<16xi32> to vector<1xi32>
          %squeeze3A = vector.extract %slice3A[0] : i32 from vector<1xi32>
          %ne3A_75 = arith.constant 0 : i32
          %ne3A_76 = arith.cmpi ne, %squeeze3A, %ne3A_75 : i32
          %slice3A_77 = vector.extract_strided_slice %sort3A_73 {offsets = [0], sizes = [1], strides = [1]} : vector<16xi32> to vector<1xi32>
          %squeeze3A_78 = vector.extract %slice3A_77[0] : i32 from vector<1xi32>
          %ne3A_79 = arith.constant 0 : i32
          %ne3A_80 = arith.cmpi ne, %squeeze3A_78, %ne3A_79 : i32
          %mul3A_81 = arith.constant 32 : i32
          %mul3A_82 = arith.muli %add3A_31, %mul3A_81 : i32
          %add3A_83 = vector.broadcast %mul3A_82 : i32 to vector<16xi32>
          %add3A_84 = arith.addi %add3A_83, %iota3A : vector<16xi32>
          %and3A = arith.constant 8191 : i32
          %and3A_85 = vector.broadcast %and3A : i32 to vector<16xi32>
          %and3A_86 = arith.andi %scan3A_61, %and3A_85 : vector<16xi32>
          %and3A_87 = arith.constant 8191 : i32
          %and3A_88 = vector.broadcast %and3A_87 : i32 to vector<16xi32>
          %and3A_89 = arith.andi %scan3A_67, %and3A_88 : vector<16xi32>
          tpu.vector_store_idx %arg8[%and3A_86], %add3A_84 : memref<8192xi32, #tpu.memory_space<vmem>>[vector<16xi32>], vector<16xi32>,
          %add3A_90 = arith.constant 16 : i32
          %add3A_91 = vector.broadcast %add3A_90 : i32 to vector<16xi32>
          %add3A_92 = arith.addi %add3A_84, %add3A_91 : vector<16xi32>
          tpu.vector_store_idx %arg8[%and3A_89], %add3A_92 : memref<8192xi32, #tpu.memory_space<vmem>>[vector<16xi32>], vector<16xi32>,
          %gather3A = tpu.vector_load_idx %arg8[%and3A_86] : memref<8192xi32, #tpu.memory_space<vmem>>[vector<16xi32>], vector<16xi32>,
          %eq3A_93 = arith.cmpi eq, %gather3A, %add3A_84 : vector<16xi32>
          %gather3A_94 = tpu.vector_load_idx %arg8[%and3A_89] : memref<8192xi32, #tpu.memory_space<vmem>>[vector<16xi32>], vector<16xi32>,
          %add3A_95 = arith.constant 16 : i32
          %add3A_96 = vector.broadcast %add3A_95 : i32 to vector<16xi32>
          %add3A_97 = arith.addi %add3A_84, %add3A_96 : vector<16xi32>
          %eq3A_98 = arith.cmpi eq, %gather3A_94, %add3A_97 : vector<16xi32>
          %gather3A_99 = tpu.vector_load_idx %arg4[%scan3A_61] : memref<50176xi32, #tpu.memory_space<vmem>>[vector<16xi32>], vector<16xi32>,
          %eq3A_100 = arith.cmpi eq, %gather3A_99, %scan3A_61 : vector<16xi32>
          %gather3A_101 = tpu.vector_load_idx %arg4[%scan3A_67] : memref<50176xi32, #tpu.memory_space<vmem>>[vector<16xi32>], vector<16xi32>,
          %eq3A_102 = arith.cmpi eq, %gather3A_101, %scan3A_67 : vector<16xi32>
          %and3A_103 = arith.andi %eq3A_100, %eq3A_102 : vector<16xi1>
          %and3A_104 = arith.andi %eq3A_93, %eq3A_98 : vector<16xi1>
          %and3A_105 = arith.andi %and3A_104, %and3A_103 : vector<16xi1>
          %jit3A_106 = arith.constant 1 : i32
          %jit3A_107 = arith.constant 0 : i32
          %broadcast_in_dim3A_108 = vector.broadcast %jit3A_106 : i32 to vector<16xi32>
          %broadcast_in_dim3A_109 = vector.broadcast %jit3A_107 : i32 to vector<16xi32>
          %select_n3A_110 = arith.select %and3A_105, %broadcast_in_dim3A_108, %broadcast_in_dim3A_109 : vector<16xi1>, vector<16xi32>
          %sort3A_111 = arith.constant dense<true> : vector<16xi1>
          %sort3A_112, %sort3A_113, %sort3A_114 = tpu.sort %select_n3A_110, %select_n3A_110 masked %sort3A_111 : (vector<16xi32>, vector<16xi32>, vector<16xi1>) -> (vector<16xi1>, vector<16xi32>, vector<16xi32>)
          %slice3A_115 = vector.extract_strided_slice %sort3A_113 {offsets = [0], sizes = [1], strides = [1]} : vector<16xi32> to vector<1xi32>
          %squeeze3A_116 = vector.extract %slice3A_115[0] : i32 from vector<1xi32>
          %ne3A_117 = arith.constant 0 : i32
          %ne3A_118 = arith.cmpi ne, %squeeze3A_116, %ne3A_117 : i32
          %and3A_119 = arith.andi %ne3A_118, %ne3A_80 : i1
          %convert_element_type3A_120 = arith.extui %ne3A_76 : i1 to i32
          %cond3A_121 = arith.constant 0 : i32
          %cond3A_122 = arith.cmpi ne, %convert_element_type3A_120, %cond3A_121 : i32
          %cond3A_123 = scf.if %cond3A_122 -> (i32) {
            %convert_element_type3A_134 = arith.extui %and3A_119 : i1 to i32
            %cond3A_135 = arith.constant 0 : i32
            %cond3A_136 = arith.cmpi ne, %convert_element_type3A_134, %cond3A_135 : i32
            %cond3A_137 = scf.if %cond3A_136 -> (i32) {
              tpu.vector_store_idx %arg4[%scan3A_61], %scan3A_67 : memref<50176xi32, #tpu.memory_space<vmem>>[vector<16xi32>], vector<16xi32>,
              %mul3A_138 = arith.constant 2 : i32
              %mul3A_139 = vector.broadcast %mul3A_138 : i32 to vector<16xi32>
              %mul3A_140 = arith.muli %mul3A_139, %iota3A : vector<16xi32>
              %add3A_141 = vector.broadcast %while3A_27 : i32 to vector<16xi32>
              %add3A_142 = arith.addi %add3A_141, %mul3A_140 : vector<16xi32>
              %and3A_143 = arith.constant 8191 : i32
              %and3A_144 = vector.broadcast %and3A_143 : i32 to vector<16xi32>
              %and3A_145 = arith.andi %add3A_142, %and3A_144 : vector<16xi32>
              tpu.vector_store_idx %arg6[%and3A_145], %select_n3A : memref<8192xi32, #tpu.memory_space<vmem>>[vector<16xi32>], vector<16xi32>,
              %mul3A_146 = arith.constant 2 : i32
              %mul3A_147 = vector.broadcast %mul3A_146 : i32 to vector<16xi32>
              %mul3A_148 = arith.muli %mul3A_147, %iota3A : vector<16xi32>
              %add3A_149 = vector.broadcast %while3A_27 : i32 to vector<16xi32>
              %add3A_150 = arith.addi %add3A_149, %mul3A_148 : vector<16xi32>
              %add3A_151 = arith.constant 1 : i32
              %add3A_152 = vector.broadcast %add3A_151 : i32 to vector<16xi32>
              %add3A_153 = arith.addi %add3A_150, %add3A_152 : vector<16xi32>
              %and3A_154 = arith.constant 8191 : i32
              %and3A_155 = vector.broadcast %and3A_154 : i32 to vector<16xi32>
              %and3A_156 = arith.andi %add3A_153, %and3A_155 : vector<16xi32>
              tpu.vector_store_idx %arg6[%and3A_156], %select_n3A_56 : memref<8192xi32, #tpu.memory_space<vmem>>[vector<16xi32>], vector<16xi32>,
              %add3A_157 = arith.constant 32 : i32
              %add3A_158 = arith.addi %while3A_27, %add3A_157 : i32
              scf.yield %add3A_158 : i32
            } else {
              %swap3A = arith.constant 0 : index
              %swap3A_138 = tpu.vector_load %arg7[%swap3A] {strides = array<i32>} : memref<64xi32, #tpu.memory_space<vmem>>, vector<16xi32>,
              tpu.vector_store %arg7[%swap3A], %select_n3A {strides = array<i32>} : memref<64xi32, #tpu.memory_space<vmem>>, vector<16xi32>,
              %swap3A_139 = arith.constant 16 : index
              %swap3A_140 = tpu.vector_load %arg7[%swap3A_139] {strides = array<i32>} : memref<64xi32, #tpu.memory_space<vmem>>, vector<16xi32>,
              tpu.vector_store %arg7[%swap3A_139], %select_n3A_56 {strides = array<i32>} : memref<64xi32, #tpu.memory_space<vmem>>, vector<16xi32>,
              %swap3A_141 = arith.constant 32 : index
              %swap3A_142 = tpu.vector_load %arg7[%swap3A_141] {strides = array<i32>} : memref<64xi32, #tpu.memory_space<vmem>>, vector<16xi32>,
              tpu.vector_store %arg7[%swap3A_141], %scan3A_61 {strides = array<i32>} : memref<64xi32, #tpu.memory_space<vmem>>, vector<16xi32>,
              %swap3A_143 = arith.constant 48 : index
              %swap3A_144 = tpu.vector_load %arg7[%swap3A_143] {strides = array<i32>} : memref<64xi32, #tpu.memory_space<vmem>>, vector<16xi32>,
              tpu.vector_store %arg7[%swap3A_143], %scan3A_67 {strides = array<i32>} : memref<64xi32, #tpu.memory_space<vmem>>, vector<16xi32>,
              %scan3A_145 = arith.constant 0 : i32
              %scan3A_146 = arith.constant 16 : i32
              %scan3A_147 = arith.addi %scan3A_145, %scan3A_146 : i32
              %scan3A_148 = arith.constant 1 : i32
              %scan3A_149 = scf.for %scan3A_151 = %scan3A_145 to %scan3A_147 step %scan3A_148 iter_args(%scan3A_152 = %while3A_27) -> (i32)  : i32 {
                %broadcast_in_dim3A_153 = vector.broadcast %scan3A_151 : i32 to vector<16xi32>
                %add3A_154 = arith.constant 32 : i32
                %add3A_155 = vector.broadcast %add3A_154 : i32 to vector<16xi32>
                %add3A_156 = arith.addi %broadcast_in_dim3A_153, %add3A_155 : vector<16xi32>
                %gather3A_157 = tpu.vector_load_idx %arg7[%add3A_156] : memref<64xi32, #tpu.memory_space<vmem>>[vector<16xi32>], vector<16xi32>,
                %slice3A_158 = vector.extract_strided_slice %gather3A_157 {offsets = [0], sizes = [1], strides = [1]} : vector<16xi32> to vector<1xi32>
                %squeeze3A_159 = vector.extract %slice3A_158[0] : i32 from vector<1xi32>
                %add3A_160 = arith.constant 48 : i32
                %add3A_161 = vector.broadcast %add3A_160 : i32 to vector<16xi32>
                %add3A_162 = arith.addi %broadcast_in_dim3A_153, %add3A_161 : vector<16xi32>
                %gather3A_163 = tpu.vector_load_idx %arg7[%add3A_162] : memref<64xi32, #tpu.memory_space<vmem>>[vector<16xi32>], vector<16xi32>,
                %slice3A_164 = vector.extract_strided_slice %gather3A_163 {offsets = [0], sizes = [1], strides = [1]} : vector<16xi32> to vector<1xi32>
                %squeeze3A_165 = vector.extract %slice3A_164[0] : i32 from vector<1xi32>
                %ne3A_166 = arith.cmpi ne, %squeeze3A_159, %squeeze3A_165 : i32
                %convert_element_type3A_167 = arith.extui %ne3A_166 : i1 to i32
                %cond3A_168 = arith.constant 0 : i32
                %cond3A_169 = arith.cmpi ne, %convert_element_type3A_167, %cond3A_168 : i32
                %cond3A_170 = scf.if %cond3A_169 -> (i32) {
                  %broadcast_in_dim3A_171 = vector.broadcast %squeeze3A_159 : i32 to vector<16xi32>
                  %gather3A_172 = tpu.vector_load_idx %arg4[%broadcast_in_dim3A_171] : memref<50176xi32, #tpu.memory_space<vmem>>[vector<16xi32>], vector<16xi32>,
                  %slice3A_173 = vector.extract_strided_slice %gather3A_172 {offsets = [0], sizes = [1], strides = [1]} : vector<16xi32> to vector<1xi32>
                  %squeeze3A_174 = vector.extract %slice3A_173[0] : i32 from vector<1xi32>
                  %while3A_175:2 = scf.while (%while3A_189 = %squeeze3A_159, %while3A_190 = %squeeze3A_174) : (i32, i32) -> (i32, i32) {
                    %ne3A_191 = arith.cmpi ne, %while3A_190, %while3A_189 : i32
                    scf.condition(%ne3A_191) %while3A_189, %while3A_190 : i32, i32
                  } do {
                  ^bb0(%while3A_189: i32, %while3A_190: i32):
                    %broadcast_in_dim3A_191 = vector.broadcast %while3A_190 : i32 to vector<16xi32>
                    %gather3A_192 = tpu.vector_load_idx %arg4[%broadcast_in_dim3A_191] : memref<50176xi32, #tpu.memory_space<vmem>>[vector<16xi32>], vector<16xi32>,
                    %slice3A_193 = vector.extract_strided_slice %gather3A_192 {offsets = [0], sizes = [1], strides = [1]} : vector<16xi32> to vector<1xi32>
                    %squeeze3A_194 = vector.extract %slice3A_193[0] : i32 from vector<1xi32>
                    scf.yield %while3A_190, %squeeze3A_194 : i32, i32
                  }
                  %broadcast_in_dim3A_176 = vector.broadcast %squeeze3A_165 : i32 to vector<16xi32>
                  %gather3A_177 = tpu.vector_load_idx %arg4[%broadcast_in_dim3A_176] : memref<50176xi32, #tpu.memory_space<vmem>>[vector<16xi32>], vector<16xi32>,
                  %slice3A_178 = vector.extract_strided_slice %gather3A_177 {offsets = [0], sizes = [1], strides = [1]} : vector<16xi32> to vector<1xi32>
                  %squeeze3A_179 = vector.extract %slice3A_178[0] : i32 from vector<1xi32>
                  %while3A_180:2 = scf.while (%while3A_189 = %squeeze3A_165, %while3A_190 = %squeeze3A_179) : (i32, i32) -> (i32, i32) {
                    %ne3A_191 = arith.cmpi ne, %while3A_190, %while3A_189 : i32
                    scf.condition(%ne3A_191) %while3A_189, %while3A_190 : i32, i32
                  } do {
                  ^bb0(%while3A_189: i32, %while3A_190: i32):
                    %broadcast_in_dim3A_191 = vector.broadcast %while3A_190 : i32 to vector<16xi32>
                    %gather3A_192 = tpu.vector_load_idx %arg4[%broadcast_in_dim3A_191] : memref<50176xi32, #tpu.memory_space<vmem>>[vector<16xi32>], vector<16xi32>,
                    %slice3A_193 = vector.extract_strided_slice %gather3A_192 {offsets = [0], sizes = [1], strides = [1]} : vector<16xi32> to vector<1xi32>
                    %squeeze3A_194 = vector.extract %slice3A_193[0] : i32 from vector<1xi32>
                    scf.yield %while3A_190, %squeeze3A_194 : i32, i32
                  }
                  %ne3A_181 = arith.cmpi ne, %while3A_175#0, %while3A_180#0 : i32
                  %convert_element_type3A_182 = arith.extui %ne3A_181 : i1 to i32
                  %cond3A_183 = arith.constant 0 : i32
                  %cond3A_184 = arith.cmpi ne, %convert_element_type3A_182, %cond3A_183 : i32
                  scf.if %cond3A_184 {
                    %gather3A_189 = tpu.vector_load_idx %arg7[%broadcast_in_dim3A_153] : memref<64xi32, #tpu.memory_space<vmem>>[vector<16xi32>], vector<16xi32>,
                    %slice3A_190 = vector.extract_strided_slice %gather3A_189 {offsets = [0], sizes = [1], strides = [1]} : vector<16xi32> to vector<1xi32>
                    %squeeze3A_191 = vector.extract %slice3A_190[0] : i32 from vector<1xi32>
                    %add3A_192 = arith.constant 16 : i32
                    %add3A_193 = vector.broadcast %add3A_192 : i32 to vector<16xi32>
                    %add3A_194 = arith.addi %broadcast_in_dim3A_153, %add3A_193 : vector<16xi32>
                    %gather3A_195 = tpu.vector_load_idx %arg7[%add3A_194] : memref<64xi32, #tpu.memory_space<vmem>>[vector<16xi32>], vector<16xi32>,
                    %slice3A_196 = vector.extract_strided_slice %gather3A_195 {offsets = [0], sizes = [1], strides = [1]} : vector<16xi32> to vector<1xi32>
                    %squeeze3A_197 = vector.extract %slice3A_196[0] : i32 from vector<1xi32>
                    %broadcast_in_dim3A_198 = vector.broadcast %while3A_175#0 : i32 to vector<16xi32>
                    %broadcast_in_dim3A_199 = vector.broadcast %while3A_180#0 : i32 to vector<16xi32>
                    %eq3A_200 = arith.constant 0 : i32
                    %eq3A_201 = vector.broadcast %eq3A_200 : i32 to vector<16xi32>
                    %eq3A_202 = arith.cmpi eq, %iota3A, %eq3A_201 : vector<16xi32>
                    tpu.vector_store_idx %arg4[%broadcast_in_dim3A_198], %broadcast_in_dim3A_199 masked %eq3A_202 : memref<50176xi32, #tpu.memory_space<vmem>>[vector<16xi32>], vector<16xi32>, vector<16xi1>
                    %add3A_203 = vector.broadcast %scan3A_152 : i32 to vector<16xi32>
                    %add3A_204 = arith.addi %add3A_203, %iota3A : vector<16xi32>
                    %and3A_205 = arith.constant 8191 : i32
                    %and3A_206 = vector.broadcast %and3A_205 : i32 to vector<16xi32>
                    %and3A_207 = arith.andi %add3A_204, %and3A_206 : vector<16xi32>
                    %eq3A_208 = arith.constant 0 : i32
                    %eq3A_209 = vector.broadcast %eq3A_208 : i32 to vector<16xi32>
                    %eq3A_210 = arith.cmpi eq, %iota3A, %eq3A_209 : vector<16xi32>
                    %broadcast_in_dim3A_211 = vector.broadcast %squeeze3A_191 : i32 to vector<16xi32>
                    %broadcast_in_dim3A_212 = vector.broadcast %squeeze3A_197 : i32 to vector<16xi32>
                    %select_n3A_213 = arith.select %eq3A_210, %broadcast_in_dim3A_211, %broadcast_in_dim3A_212 : vector<16xi1>, vector<16xi32>
                    %lt3A_214 = arith.constant 2 : i32
                    %lt3A_215 = vector.broadcast %lt3A_214 : i32 to vector<16xi32>
                    %lt3A_216 = arith.cmpi slt, %iota3A, %lt3A_215 : vector<16xi32>
                    tpu.vector_store_idx %arg6[%and3A_207], %select_n3A_213 masked %lt3A_216 : memref<8192xi32, #tpu.memory_space<vmem>>[vector<16xi32>], vector<16xi32>, vector<16xi1>
                  } else {
                  }
                  %convert_element_type3A_185 = arith.extui %ne3A_181 : i1 to i32
                  %mul3A_186 = arith.constant 2 : i32
                  %mul3A_187 = arith.muli %mul3A_186, %convert_element_type3A_185 : i32
                  %add3A_188 = arith.addi %scan3A_152, %mul3A_187 : i32
                  scf.yield %add3A_188 : i32
                } else {
                  scf.yield %scan3A_152 : i32
                }
                scf.yield %cond3A_170 : i32
              }
              %scan3A_150 = arith.constant 16 : i32
              scf.yield %scan3A_149 : i32
            }
            scf.yield %cond3A_137 : i32
          } else {
            scf.yield %while3A_27 : i32
          }
          %sub3A_124 = arith.subi %cond3A_123, %while3A_28 : i32
          %ge3A = arith.constant 4096 : i32
          %ge3A_125 = arith.cmpi sge, %sub3A_124, %ge3A : i32
          %convert_element_type3A_126 = arith.extui %ge3A_125 : i1 to i32
          %cond3A_127 = arith.constant 0 : i32
          %cond3A_128 = arith.cmpi ne, %convert_element_type3A_126, %cond3A_127 : i32
          scf.if %cond3A_128 {
            %and3A_134 = arith.constant 8191 : i32
            %and3A_135 = arith.andi %while3A_28, %and3A_134 : i32
            %multiple_of3A_136 = tpu.assume_multiple %and3A_135, 8 : i32
            %mul3A_137 = arith.constant 102400 : i32
            %mul3A_138 = arith.muli %arg0, %mul3A_137 : i32
            %add3A_139 = arith.addi %mul3A_138, %while3A_28 : i32
            %multiple_of3A_140 = tpu.assume_multiple %add3A_139, 8 : i32
            "tpu.region"() ({
              %run_scoped3A = tpu.sem_alloc : memref<!tpu.dma_semaphore, #tpu.memory_space<semaphore_mem>>
              %dma_start3A = tpu.memref_slice %arg6[%multiple_of3A_136] : memref<8192xi32, #tpu.memory_space<vmem>> -> memref<4096xi32, #tpu.memory_space<vmem>>
              %dma_start3A_141 = tpu.memref_slice %arg3[%multiple_of3A_140] : memref<204800xi32, #tpu.memory_space<hbm>> -> memref<4096xi32, #tpu.memory_space<hbm>>
              %dma_start3A_142 = tpu.memref_slice %arg3[%multiple_of3A_140] : memref<204800xi32, #tpu.memory_space<hbm>> -> memref<4096xi32, #tpu.memory_space<hbm>>
              %dma_start3A_143 = tpu.memref_slice %arg6[%multiple_of3A_136] : memref<8192xi32, #tpu.memory_space<vmem>> -> memref<4096xi32, #tpu.memory_space<vmem>>
              tpu.enqueue_dma source(%dma_start3A_143 : memref<4096xi32, #tpu.memory_space<vmem>>) target(%dma_start3A_142 : memref<4096xi32, #tpu.memory_space<hbm>>) target_semaphore(%run_scoped3A : memref<!tpu.dma_semaphore, #tpu.memory_space<semaphore_mem>>)
              %dma_wait3A = tpu.memref_slice %arg6[%multiple_of3A_136] : memref<8192xi32, #tpu.memory_space<vmem>> -> memref<4096xi32, #tpu.memory_space<vmem>>
              %dma_wait3A_144 = tpu.memref_slice %arg3[%multiple_of3A_140] : memref<204800xi32, #tpu.memory_space<hbm>> -> memref<4096xi32, #tpu.memory_space<hbm>>
              %dma_wait3A_145 = tpu.memref_slice %arg3[%multiple_of3A_140] : memref<204800xi32, #tpu.memory_space<hbm>> -> memref<4096xi32, #tpu.memory_space<hbm>>
              %dma_wait3A_146 = tpu.memref_slice %arg6[%multiple_of3A_136] : memref<8192xi32, #tpu.memory_space<vmem>> -> memref<4096xi32, #tpu.memory_space<vmem>>
              tpu.wait_dma2 semaphore(%run_scoped3A : memref<!tpu.dma_semaphore, #tpu.memory_space<semaphore_mem>>) src(%dma_wait3A_146 : memref<4096xi32, #tpu.memory_space<vmem>>) dst(%dma_wait3A_145 : memref<4096xi32, #tpu.memory_space<hbm>>)
              tpu.yield
            }) : () -> ()
          } else {
          }
          %add3A_129 = arith.constant 4096 : i32
          %add3A_130 = arith.addi %while3A_28, %add3A_129 : i32
          %select_n3A_131 = arith.select %ge3A_125, %add3A_130, %while3A_28 : i32
          %add3A_132 = arith.constant 1 : i32
          %add3A_133 = arith.addi %while3A_26, %add3A_132 : i32
          scf.yield %add3A_133, %cond3A_123, %select_n3A_131 : i32, i32, i32
        }
        scf.yield %while3A_25#1, %while3A_25#2 : i32, i32
      }
      %scan3A_15 = arith.constant 4 : i32
      %gt3A = arith.cmpi sgt, %scan3A_14#0, %scan3A_14#1 : i32
      %convert_element_type3A_16 = arith.extui %gt3A : i1 to i32
      %cond3A_17 = arith.constant 0 : i32
      %cond3A_18 = arith.cmpi ne, %convert_element_type3A_16, %cond3A_17 : i32
      scf.if %cond3A_18 {
        %and3A = arith.constant 8191 : i32
        %and3A_19 = arith.andi %scan3A_14#1, %and3A : i32
        %multiple_of3A = tpu.assume_multiple %and3A_19, 8 : i32
        %mul3A = arith.constant 102400 : i32
        %mul3A_20 = arith.muli %arg0, %mul3A : i32
        %add3A = arith.addi %mul3A_20, %scan3A_14#1 : i32
        %multiple_of3A_21 = tpu.assume_multiple %add3A, 8 : i32
        "tpu.region"() ({
          %run_scoped3A = tpu.sem_alloc : memref<!tpu.dma_semaphore, #tpu.memory_space<semaphore_mem>>
          %dma_start3A = tpu.memref_slice %arg6[%multiple_of3A] : memref<8192xi32, #tpu.memory_space<vmem>> -> memref<4096xi32, #tpu.memory_space<vmem>>
          %dma_start3A_22 = tpu.memref_slice %arg3[%multiple_of3A_21] : memref<204800xi32, #tpu.memory_space<hbm>> -> memref<4096xi32, #tpu.memory_space<hbm>>
          %dma_start3A_23 = tpu.memref_slice %arg3[%multiple_of3A_21] : memref<204800xi32, #tpu.memory_space<hbm>> -> memref<4096xi32, #tpu.memory_space<hbm>>
          %dma_start3A_24 = tpu.memref_slice %arg6[%multiple_of3A] : memref<8192xi32, #tpu.memory_space<vmem>> -> memref<4096xi32, #tpu.memory_space<vmem>>
          tpu.enqueue_dma source(%dma_start3A_24 : memref<4096xi32, #tpu.memory_space<vmem>>) target(%dma_start3A_23 : memref<4096xi32, #tpu.memory_space<hbm>>) target_semaphore(%run_scoped3A : memref<!tpu.dma_semaphore, #tpu.memory_space<semaphore_mem>>)
          %dma_wait3A = tpu.memref_slice %arg6[%multiple_of3A] : memref<8192xi32, #tpu.memory_space<vmem>> -> memref<4096xi32, #tpu.memory_space<vmem>>
          %dma_wait3A_25 = tpu.memref_slice %arg3[%multiple_of3A_21] : memref<204800xi32, #tpu.memory_space<hbm>> -> memref<4096xi32, #tpu.memory_space<hbm>>
          %dma_wait3A_26 = tpu.memref_slice %arg3[%multiple_of3A_21] : memref<204800xi32, #tpu.memory_space<hbm>> -> memref<4096xi32, #tpu.memory_space<hbm>>
          %dma_wait3A_27 = tpu.memref_slice %arg6[%multiple_of3A] : memref<8192xi32, #tpu.memory_space<vmem>> -> memref<4096xi32, #tpu.memory_space<vmem>>
          tpu.wait_dma2 semaphore(%run_scoped3A : memref<!tpu.dma_semaphore, #tpu.memory_space<semaphore_mem>>) src(%dma_wait3A_27 : memref<4096xi32, #tpu.memory_space<vmem>>) dst(%dma_wait3A_26 : memref<4096xi32, #tpu.memory_space<hbm>>)
          tpu.yield
        }) : () -> ()
      } else {
      }
    } else {
    }
    return
  }
}

</mosaic_0001>

<sc_bundles>
// kernel: kernel.3.cloned.1.call-start
scs
__scs_entry_jumppad:
0x0: {  	(pc) =	sbr.rel $0x88, $3  }
0x1: {  	(tag) =	ssettag $0x0;
	lr =	simm.s32 $0x1  }
0x2: {  	[smem:$0x3FA0] =	sst lr;
	_ =	strace $0xD0000000  }
0x3: {  	_ = 	snop  }
0x4: {  	_ = 	snop  }
0x5: {  	_ = 	snop  }
0x6: {  	_ = 	snop  }
0x7: {  	_ = 	snop  }
__scs_overlays_trampoline_lowered:
0x8: {  	[smem:$0x3FAF] =	sst s0  }
0x9: {  	[smem:$0x3FB0] =	sst s1  }
0xa: {  	[smem:$0x3FB1] =	sst s2  }
0xb: {  	[smem:$0x3FB2] =	sst s3  }
0xc: {  	[smem:$0x3FB3] =	sst s4  }
0xd: {  	[smem:$0x3FB4] =	sst s5  }
0xe: {  	[smem:$0x3FB5] =	sst s6  }
0xf: {  	[smem:$0x3FB6] =	sst s7  }
0x10: {  	[smem:$0x3FB7] =	sst s8  }
0x11: {  	[smem:$0x3FB8] =	sst s9;
	s0 =	simm.s32 @!p0 $0x0  }
0x12: {  	s1 =	sld [smem:$0x3F9E];
	s0 =	simm.s32 @p0 $0x1  }
0x13: {  	[smem:$0x3FB9] =	sst s0;
	s0 =	simm.s32 @!p1 $0x0  }
0x14: {  	s2 =	sld [smem:$0x3F9D];
	s0 =	simm.s32 @p1 $0x1  }
0x15: {  	[smem:$0x3FBA] =	sst s0;
	s0 =	simm.s32 @!p2 $0x0  }
0x16: {  	s3 =	sld [smem:$0x3FDB];
	s0 =	simm.s32 @p2 $0x1  }
0x17: {  	s4 =	simm.s32 $0x1BF5;
	[smem:$0x3FBC] =	sst s0  }
0x18: {  	s0 =	sld [smem:$0x3F9F];
	_ =	swait.ge [sflag:s4], $0x0  }
0x19: {  	s7 =	sld [smem:$0x3FA0]  }
0x1a: {  	s8 =	sadd.s32 $0xFFFFE003, lr  }
0x1b: {  	s9 =	sadd.s32 $0xFFFFFEF7, lr;
	s5 =	simm.s32 $0xFFFFFFFF;
	p2 =	slt.u32 s8, $0xFFFFF086  }
0x1c: {  	p1 =	slt.u32 s9, $0xF7A;
	s5 =	simm.s32 @!p2 $0x0  }
0x1d: {  	s5 =	simm.s32 @p1 $0x1;
	p0 =	seq.s32 s7, s2  }
0x1e: {  	s7 =	smul.u32 @!p0 $0xF7A, s2;
	p2 =	seq.s32 @!p0 s5, $0x0  }
0x1f: {  	s9 =	smul.u32 $0xF7A, s1;
	s8 =	simm.s32 @!p0 $0x1BF5;
	p2 =	por !p2, p0  }
0x20: {  	[sflag:s8] =	ssyncset.s32 @!p0 $0xFFFFF086;
	s6 =	sadd.s32 @!p0 s3, s7;
	s7 =	simm.s32 @!p0 $0x108  }
0x21: {  	s3 =	sadd.s32 s3, s9;
	s6 =	sadd.s32 @!p0 $0x88, s6;
	s7 =	simm.s32 @p2 $0x1082  }
0x22: {  	[simem:s7], [sflag:s8] =	dma.local @!p0 [hbm:s6], $0xF7A  }
0x23: {  	s9 =	sor.u32 $0xD0000000, s2;
	s6 =	simm.s32 $0x108;
	_ =	swait.ge @!p0 [sflag:s8], $0x0  }
0x24: {  	s3 =	sadd.s32 $0x88, s3;
	s6 =	simm.s32 @!p1 $0x1082;
	[sflag:s4] =	ssyncset.s32 $0xFFFFF086  }
0x25: {  	[simem:s6], [sflag:s4] =	dma.local [hbm:s3], $0xF7A  }
0x26: {  	[smem:$0x3FA0] =	sst s1;
	(tag) =	ssettag s2;
	_ =	strace s9  }
0x27: {  	s1 =	sld [smem:$0x3FB0]  }
0x28: {  	s2 =	sld [smem:$0x3FB1]  }
0x29: {  	s4 =	sld [smem:$0x3FB3]  }
0x2a: {  	p0 =	seq.s32 s5, $0x0;
	s5 =	sld [smem:$0x3FB4]  }
0x2b: {  	s6 =	sld [smem:$0x3FB5]  }
0x2c: {  	s7 =	sld [smem:$0x3FB6]  }
0x2d: {  	s3 =	simm.s32 $0x108;
	s8 =	sld [smem:$0x3FB7]  }
0x2e: {  	s3 =	simm.s32 @!p0 $0x1082;
	s9 =	sld [smem:$0x3FB8]  }
0x2f: {  	lr =	sadd.s32 s0, s3;
	s0 =	sld [smem:$0x3FAF]  }
0x30: {  	s3 =	sld [smem:$0x3FB2]  }
0x31: {  	[smem:$0x3FBB] =	sst s10  }
0x32: {  	s10 =	sld [smem:$0x3FB9];
	_ =	sdelay $0x3  }
0x33: {  	p0 =	seq.s32 s10, $0x1;
	s10 =	sld [smem:$0x3FBB];
	_ =	sdelay $0x3  }
0x34: {  	[smem:$0x3FBB] =	sst s10  }
0x35: {  	s10 =	sld [smem:$0x3FBA];
	_ =	sdelay $0x3  }
0x36: {  	p1 =	seq.s32 s10, $0x1;
	s10 =	sld [smem:$0x3FBB];
	_ =	sdelay $0x3  }
0x37: {  	[smem:$0x3FBB] =	sst s10  }
0x38: {  	s10 =	sld [smem:$0x3FBC]  }
0x39: {  	_ = 	snop;
	(pc) =	sbr.ind lr, $3  }
0x3a: {  	_ = 	snop  }
0x3b: {  	_ = 	snop  }
0x3c: {  	p2 =	seq.s32 s10, $0x1;
	s10 =	sld [smem:$0x3FBB]  }
0x3d: {  	_ =	shalt  }
0x3e: {  	_ =	shalt  }
0x3f: {  	_ =	shalt  }
0x40: {  	_ =	shalt  }
0x41: {  	_ =	shalt  }
0x42: {  	_ =	shalt  }
0x43: {  	_ =	shalt  }
0x44: {  	_ =	shalt  }
0x45: {  	_ =	shalt  }
0x46: {  	_ =	shalt  }
0x47: {  	_ =	shalt  }
0x48: {  	_ =	shalt  }
0x49: {  	_ =	shalt  }
0x4a: {  	_ =	shalt  }
0x4b: {  	_ =	shalt  }
0x4c: {  	_ =	shalt  }
0x4d: {  	_ =	shalt  }
0x4e: {  	_ =	shalt  }
0x4f: {  	_ =	shalt  }
0x50: {  	_ =	shalt  }
0x51: {  	_ =	shalt  }
0x52: {  	_ =	shalt  }
0x53: {  	_ =	shalt  }
0x54: {  	_ =	shalt  }
0x55: {  	_ =	shalt  }
0x56: {  	_ =	shalt  }
0x57: {  	_ =	shalt  }
0x58: {  	_ =	shalt  }
0x59: {  	_ =	shalt  }
0x5a: {  	_ =	shalt  }
0x5b: {  	_ =	shalt  }
0x5c: {  	_ =	shalt  }
0x5d: {  	_ =	shalt  }
0x5e: {  	_ =	shalt  }
0x5f: {  	_ =	shalt  }
0x60: {  	_ =	shalt  }
0x61: {  	_ =	shalt  }
0x62: {  	_ =	shalt  }
0x63: {  	_ =	shalt  }
0x64: {  	_ =	shalt  }
0x65: {  	_ =	shalt  }
0x66: {  	_ =	shalt  }
0x67: {  	_ =	shalt  }
0x68: {  	_ =	shalt  }
0x69: {  	_ =	shalt  }
0x6a: {  	_ =	shalt  }
0x6b: {  	_ =	shalt  }
0x6c: {  	_ =	shalt  }
0x6d: {  	_ =	shalt  }
0x6e: {  	_ =	shalt  }
0x6f: {  	_ =	shalt  }
0x70: {  	_ =	shalt  }
0x71: {  	_ =	shalt  }
0x72: {  	_ =	shalt  }
0x73: {  	_ =	shalt  }
0x74: {  	_ =	shalt  }
0x75: {  	_ =	shalt  }
0x76: {  	_ =	shalt  }
0x77: {  	_ =	shalt  }
0x78: {  	_ =	shalt  }
0x79: {  	_ =	shalt  }
0x7a: {  	_ =	shalt  }
0x7b: {  	_ =	shalt  }
0x7c: {  	_ =	shalt  }
0x7d: {  	_ =	shalt  }
0x7e: {  	_ =	shalt  }
0x7f: {  	_ =	shalt  }
0x80: {  	_ =	shalt  }
0x81: {  	_ =	shalt  }
0x82: {  	_ =	shalt  }
0x83: {  	_ =	shalt  }
0x84: {  	_ =	shalt  }
0x85: {  	_ =	shalt  }
0x86: {  	_ =	shalt  }
0x87: {  	_ =	shalt  }
.Lfunc_end0:
.L_simem_size_0:
called_computation_lowered:
.L_overlay_start_0:
0x88: {  	s2 =	sld [smem:$0x3FD9]  }
0x89: {  	s3 =	sld [smem:$0x3FFE];
	_ =	sdelay $0x1  }
0x8a: {  	s1 =	srdreg.scid  }
0x8b: {  	s0 =	sand.u32 $0x1, s1  }
0x8c: {  	s16 =	sshll.u32 s0, $0xA;
	s2 =	sadd.s32 s3, s2  }
0x8d: {  	s2 =	sadd.s32 s2, s16  }
0x8e: {  	[smem:$0x3FC7] =	sst s2  }
0x8f: {  	_ = 	snop  }
0x90: {  	(tm) =	ssettm $0x1  }
0x91: {  	s17 =	sld [smem:$0x3FFB];
	_ =	sdelay $0x3  }
0x92: {  	_ =	strace s17  }
0x93: {  	s2 =	sld [smem:$0x3FFC];
	_ =	sdelay $0x3  }
0x94: {  	_ =	strace s2  }
0x95: {  	s2 =	sld [smem:$0x3FFD];
	_ =	sdelay $0x3  }
0x96: {  	_ =	strace s2  }
0x97: {  	_ =	strace $0x8FFFFFFF  }
0x98: {  	s18 =	sld [smem:$0x3FDB];
	_ =	sdelay $0x1  }
0x99: {  	s19 =	simm.s32 $_scs_section_size  }
0x9a: {  	s4 =	simm.s32 $_size__tile_overlayer_lowered;
	s5 =	simm.s32 $_tile_overlayer_lowered  }
0x9b: {  	s22 =	simm.s32 $0x1BFF;
	s21 =	sshll.u32 s5, $0x1;
	s2 =	sadd.s32 s19, s18  }
0x9c: {  	s6 =	simm.s32 $0x0;
	s20 =	sshll.u32 s4, $0x1;
	s4 =	sadd.s32 s21, s2  }
0x9d: {  	[timem:s6], [sflag:s22] =	dma.local [hbm:s4], s20  }
0x9e: {  	_ =	swait.ge [sflag:s22], s20  }
0x9f: {  	s3 =	ssub.s32 $0x0, s20;
	[sflag:s22] =	ssyncset.done $0x0  }
0xa0: {  	[sflag:s22] =	ssyncadd.s32 s3;
	_ =	sdelay $0x1  }
0xa1: {  	s23 =	simm.s32 $0x1B8B  }
0xa2: {  	_ =	swait.ge [sflag:s23], $0x1  }
0xa3: {  	[sflag:s23] =	ssyncset.done $0x0  }
0xa4: {  	s25 =	simm.s32 $0x1B8E;
	s24 =	sld [smem:$0x3FFE];
	[sflag:s23] =	ssyncadd.s32 $0xFFFFFFFF  }
0xa5: {  	s26 =	simm.s32 $execute0_lowered;
	[smem:$0x3FD2] =	sst s25  }
0xa6: {  	s4 =	sshll.u32 s26, $0x1;
	_ =	strace $0x80000046;
	[dreg:$0x1] =	wrdreg $0xFFFFFFFF  }
0xa7: {  	s28 =	simm.s32 $_size_execute0_lowered;
	s2 =	sadd.s32 s2, s4;
	[dreg:$0x0] =	wrdreg $0x0  }
0xa8: {  	s4 =	sshll.u32 s28, $0x1;
	[dreg:$0x2] =	wrdreg s2  }
0xa9: {  	[dreg:$0x3] =	wrdreg s4  }
0xaa: {  	[dreg:$0x4] =	wrdreg $0xC0  }
0xab: {  	_ =	task [dreg:s6], $0x5FFFF  }
0xac: {  	[dreg:$0x1] =	wrdreg $0xFFFFFFFF  }
0xad: {  	[dreg:$0x0] =	wrdreg $0x60  }
0xae: {  	[dreg:$0x2] =	wrdreg s24  }
0xaf: {  	[dreg:$0x3] =	wrdreg $0x9  }
0xb0: {  	_ =	task.clear_ibuf [dreg:s6], $0x4FFFF;
	_ =	strace $0x90000046  }
0xb1: {  	s29 =	simm.s32 $0x9;
	_ =	strace $0x80000048  }
0xb2: {  	_ =	swait.ge [sflag:s29], $0x1  }
0xb3: {  	[sflag:s29] =	ssyncadd.s32 $0xFFFFFFFF  }
0xb4: {  	_ =	strace $0x90000048  }
0xb5: {  	_ =	sfence  }
0xb6: {  	s30 =	sld [smem:$0x0];
	_ =	sdelay $0x2  }
0xb7: {  	s31 =	sshll.u32 s1, $0xD;
	s1 =	sshrl.u32 s1, $0x2  }
0xb8: {  	s3 =	sand.u32 $0x4000, s31;
	s1 =	sadd.s32 s1, s30  }
0xb9: {  	s0 =	sor.u32 s3, s0;
	s1 =	sshll.u32 s1, $0x11  }
0xba: {  	s0 =	sor.u32 s1, s0  }
0xbb: {  	s0 =	sadd.s32 $0x8F2B, s0  }
0xbc: {  	[sflag:s0] =	ssyncadd.remote.s32 $0x1  }
0xbd: {  	_ =	sfence.sel $0xFFFF  }
0xbe: {  	[dreg:$0x0] =	wrdreg $0xFFFFFFFF;
	(pc) =	sbr.abs _section_cstart, $3  }
0xbf: {  	[dreg:$0x1] =	wrdreg $0xFFFFFFFF  }
0xc0: {  	_ =	task.clear_ibuf [dreg:s6], $0x2FFFF;
	_ =	strace $0x9FFFFFFF  }
0xc1: {  	(tm) =	ssettm $0x7FFFFFFF  }
tec
execute0_lowered:
.L_overlay_start_1:
0x0: {  	(tag) =	ssettag $0x1  }
0x1: {  	s3 =	stileid.u32  }
0x2: {  	p0 =	sne.s32 s3, $0x0  }
.Ltmp0:
0x3: {  	_ = 	snop;
	(pc) =	sbr.rel @!p0 .LBB2_1-.Ltmp0, $4  }
0x4: {  	_ = 	snop  }
0x5: {  	s1 =	rddreg [dreg:$0x0];
	s2 =	simm.s32 $0x0  }
0x6: {  	[smem:$0x7FF] =	sst s2  }
0x7: {  	s0 =	rddreg [dreg:$0x1];
	_ =	strace $0x80000047  }
.LBB2_22:
0x8: {  	_ =	sfence.sel $0x180000  }
0x9: {  	[bflag:$0x0] =	sbarrier.arrive $0xFFFF  }
0xa: {  	_ =	strace $0x90000047  }
0xb: {  	s0 =	sadd.s32 @!p0 $0x100000, s0;
	[bflag:$0x2] =	sbarrier.arrive $0xFFFF  }
0xc: {  	[sflag:s0] =	ssyncadd.tile.s32 @!p0 $0x1;
	_ =	shalt  }
.LBB2_1:
0xd: {  	s3 =	srdreg.scid  }
.Ltmp1:
0xe: {  	s7 =	simm.s32 $0xC400;
	s5 =	sand.u32 $0x1, s3;
	(pc) =	sbr.rel .LBB2_2-.Ltmp1, $4  }
0xf: {  	v0 =	vlaneseq.u32;
	s8 =	simm.s32 $0x1;
	s9 =	simm.s32 $0x14680;
	s4 =	ssub.s32 $0x2, s5  }
0x10: {  	s10 =	simm.s32 $0x12600;
	s11 =	simm.s32 $0x14600;
	v1 =	vmul.u32 $0x2, v0;
	s6 =	sshrl.u32 s4, $0x1  }
0x11: {  	s12 =	simm.s32 $0x0;
	s3 =	sadd.s32 $0x8000, s1;
	s6 =	ssub.s32 s4, s6  }
0x12: {  	v2 =	vimm.s32 $0x0;
	v3 =	vor.u32 $0x10, v0;
	v4 =	vor.u32 $0x1, v1;
	s4 =	sshll.u32 s5, $0x11;
	s5 =	smul.u32 $0x19000, s5;
	s6 =	smax.u32 s6, $0x1  }
.LBB2_21:
0x13: {  	p1 =	sle.s32 s14, s13  }
0x14: {  	s12 =	sadd.s32 $0x1, s12;
	s14 =	sadd.s32 @!p1 s5, s13  }
0x15: {  	s13 =	sand.u32 @!p1 $0x1FF8, s13;
	s15 =	simm.s32 @!p1 $0x0;
	s14 =	sshrl.u32 @!p1 s14, $0x3  }
0x16: {  	p2 =	sne.s32 s12, s6;
	s13 =	sadd.s32 @!p1 $0x12600, s13;
	s14 =	sadd.s32 @!p1 s3, s14  }
0x17: {  	[hbm4b:s14+s15] =	stream.linear.scatter @!p1 [tilespmem:s13], [sflag:$0x1], $0x1000, $0x38;
	[tilespmem:$0x16680] =	vst v63  }
.Ltmp2:
0x18: {  	_ = 	snop;
	(pc) =	sbr.rel @!p2 .LBB2_22-.Ltmp2, $4  }
0x19: {  	s13 =	simm.s32 @!p1 $0x1  }
0x1a: {  	_ =	swait.ge @!p1 [sflag:s13], $0x1000  }
0x1b: {  	[sflag:s13] =	ssyncset.done @!p1 $0x0  }
0x1c: {  	[sflag:s13] =	ssyncadd.s32 @!p1 $0xFFFFF000  }
.LBB2_2:
0x1d: {  	s13 =	simm.s32 $0x0  }
0x1e: {  	v5 =	vor.u32 s13, v0  }
0x1f: {  	s14 =	simm.s32 $0x10;
	s15 =	simm.s32 $0x0;
	[tilespmem:s13+$0x0] =	vst v5  }
.LBB2_3:
0x20: {  	p1 =	sne.s32 s14, $0xC3F0  }
.Ltmp3:
0x21: {  	_ = 	snop;
	(pc) =	sbr.rel @p1 .LBB2_3-.Ltmp3, $3  }
0x22: {  	_ =	sdelay $0x1  }
0x23: {  	v5 =	vor.u32 s14, v0;
	s14 =	sadd.s32 $0x10, s14;
	s15 =	sadd.s32 $0x10, s15  }
0x24: {  	[tilespmem:s15+$0x0] =	vst v5  }
.Ltmp4:
0x25: {  	(pc) =	sbr.rel .LBB2_5-.Ltmp4, $2  }
0x26: {  	_ =	sdelay $0x2  }
0x27: {  	s14 =	simm.s32 $0x0;
	s15 =	simm.s32 $0x0  }
.LBB2_19:
0x28: {  	s14 =	smov.u32 @p2 s14;
	s13 =	smov.u32 @p2 s13  }
.LBB2_20:
0x29: {  	s15 =	sadd.s32 $0x1, s15  }
0x2a: {  	p1 =	sne.s32 s15, $0x4  }
.Ltmp5:
0x2b: {  	_ = 	snop;
	(pc) =	sbr.rel @!p1 .LBB2_21-.Ltmp5, $1  }
0x2c: {  	_ =	sdelay $0x3  }
.LBB2_5:
0x2d: {  	s16 =	smul.u32 $0x6190, s15;
	_ =	sdelay $0x1  }
0x2e: {  	s16 =	sadd.s32 s4, s16  }
0x2f: {  	p1 =	sgt.s32 s14, $0x187FD;
	s16 =	sshrl.u32 s16, $0x3  }
.Ltmp6:
0x30: {  	s16 =	sadd.s32 s1, s16;
	(pc) =	sbr.rel @p1 .LBB2_20-.Ltmp6, $4  }
0x31: {  	[tilespmem:s7], [sflag:$0x1] =	stream.linear.gather [hbm4b:s16+s2], $0x6190, $0x38;
	[tilespmem:$0x16680] =	vst v63  }
0x32: {  	_ =	swait.ge [sflag:s8], $0x6190  }
0x33: {  	[sflag:s8] =	ssyncset.done $0x0  }
0x34: {  	[sflag:s8] =	ssyncadd.s32 $0xFFFF9E70  }
.Ltmp7:
0x35: {  	(pc) =	sbr.rel .LBB2_7-.Ltmp7, $2  }
0x36: {  	_ =	sdelay $0x2  }
0x37: {  	s16 =	smul.u32 $0x619, s15;
	s17 =	simm.s32 $0x0  }
.LBB2_9:
0x38: {  	v9 =	vadd.s32 s14, v1  }
0x39: {  	v10 =	vadd.s32 s14, v4;
	v9 =	vand.u32 $0x1FFF, v9  }
0x3a: {  	v10 =	vand.u32 $0x1FFF, v10;
	_ =	sdelay $0x2  }
0x3b: {  	[tilespmem:v6+s2+$0x0] =	vst.idx.msk $0xffff, v8  }
0x3c: {  	[tilespmem:v9+s10+$0x0] =	vst.idx.msk $0xffff, v5  }
0x3d: {  	s14 =	sadd.s32 $0x20, s14;
	[tilespmem:v10+s10+$0x0] =	vst.idx.msk $0xffff, v7  }
.LBB2_18:
0x3e: {  	s18 =	ssub.s32 s14, s13  }
0x3f: {  	p2 =	sgt.u32 s17, $0x617;
	p1 =	slt.s32 s18, $0x1000  }
0x40: {  	p4 =	slt.s32 @!p2 s14, $0x187FE;
	s19 =	sadd.s32 @!p1 s5, s13  }
0x41: {  	s20 =	sand.u32 @!p1 $0x1FF8, s13;
	s21 =	simm.s32 @!p1 $0x0;
	s19 =	sshrl.u32 @!p1 s19, $0x3  }
0x42: {  	p4 =	por p2, !p4;
	s20 =	sadd.s32 @!p1 $0x12600, s20;
	s19 =	sadd.s32 @!p1 s3, s19  }
0x43: {  	[hbm4b:s19+s21] =	stream.linear.scatter @!p1 [tilespmem:s20], [sflag:$0x1], $0x1000, $0x38;
	[tilespmem:$0x16680] =	vst v63  }
.Ltmp8:
0x44: {  	_ = 	snop;
	(pc) =	sbr.rel @p4 .LBB2_19-.Ltmp8, $4  }
0x45: {  	s19 =	simm.s32 @!p1 $0x1  }
0x46: {  	_ =	swait.ge @!p1 [sflag:s19], $0x1000  }
0x47: {  	p3 =	sgt.s32 s18, $0xFFF;
	s18 =	sadd.s32 $0x1000, s13;
	[sflag:s19] =	ssyncset.done @!p1 $0x0  }
0x48: {  	s17 =	sadd.s32 $0x1, s17;
	s13 =	smov.u32 @p3 s18;
	[sflag:s19] =	ssyncadd.s32 @!p1 $0xFFFFF000  }
.LBB2_7:
0x49: {  	s18 =	sshll.u32 s17, $0x4  }
0x4a: {  	s18 =	sand.u32 $0x3FFFFFF0, s18  }
0x4b: {  	v5 =	vld [tilespmem:s18+$0xC400];
	_ =	sdelay $0x4  }
0x4c: {  	vm0 =	vgt.s32 v5, $0x0  }
0x4d: {  	v6 =	vnsel vm0, $0x0, v5  }
0x4e: {  	v7 =	vmin.u32 v6, $0x1863F  }
0x4f: {  	v6 =	vadd.s32 $0xFFFF3CE0, v7  }
0x50: {  	v8 =	vmul.u32 $0x125E3, v6;
	_ =	sdelay $0x1  }
0x51: {  	v8 =	vshrl.u32 v8, $0x18  }
0x52: {  	vm14 =	vlt.s32 v5, $0xC320;
	v8 =	vadd.s32 v6, v8  }
0x53: {  	v5 =	vsel vm14, v7, v8;
	_ =	sdelay $0x4  }
0x54: {  	v6 =	vld.idx.msk [tilespmem:v5+s2+$0x0], $0xffff;
	_ =	sdelay $0x7  }
0x55: {  	v6 =	vld.idx.msk [tilespmem:v6+s2+$0x0], $0xffff;
	_ =	sdelay $0x6  }
0x56: {  	[tilespmem:v5+s2+$0x0] =	vst.idx.msk $0xffff, v6  }
0x57: {  	v9 =	vld.idx.msk [tilespmem:v6+s2+$0x0], $0xffff;
	_ =	sdelay $0x7  }
0x58: {  	v9 =	vld.idx.msk [tilespmem:v9+s2+$0x0], $0xffff;
	_ =	sdelay $0x6  }
0x59: {  	[tilespmem:v6+s2+$0x0] =	vst.idx.msk $0xffff, v9  }
0x5a: {  	v6 =	vld.idx.msk [tilespmem:v9+s2+$0x0], $0xffff;
	_ =	sdelay $0x7  }
0x5b: {  	v10 =	vld.idx.msk [tilespmem:v6+s2+$0x0], $0xffff;
	_ =	sdelay $0x6  }
0x5c: {  	[tilespmem:v9+s2+$0x0] =	vst.idx.msk $0xffff, v10  }
0x5d: {  	v6 =	vld.idx.msk [tilespmem:v10+s2+$0x0], $0xffff;
	_ =	sdelay $0x7  }
0x5e: {  	v7 =	vadd.s32 $0xE0, v7;
	v8 =	vadd.s32 $0x1, v8;
	v6 =	vld.idx.msk [tilespmem:v6+s2+$0x0], $0xffff  }
0x5f: {  	v7 =	vsel vm14, v7, v8;
	_ =	sdelay $0x3  }
0x60: {  	[tilespmem:v10+s2+$0x0] =	vst.idx.msk $0xffff, v6  }
0x61: {  	v8 =	vld.idx.msk [tilespmem:v7+s2+$0x0], $0xffff;
	_ =	sdelay $0x7  }
0x62: {  	v8 =	vld.idx.msk [tilespmem:v8+s2+$0x0], $0xffff;
	_ =	sdelay $0x6  }
0x63: {  	[tilespmem:v7+s2+$0x0] =	vst.idx.msk $0xffff, v8  }
0x64: {  	v9 =	vld.idx.msk [tilespmem:v8+s2+$0x0], $0xffff;
	_ =	sdelay $0x7  }
0x65: {  	v9 =	vld.idx.msk [tilespmem:v9+s2+$0x0], $0xffff;
	_ =	sdelay $0x6  }
0x66: {  	[tilespmem:v8+s2+$0x0] =	vst.idx.msk $0xffff, v9  }
0x67: {  	v8 =	vld.idx.msk [tilespmem:v9+s2+$0x0], $0xffff;
	_ =	sdelay $0x7  }
0x68: {  	v12 =	vld.idx.msk [tilespmem:v8+s2+$0x0], $0xffff;
	_ =	sdelay $0x6  }
0x69: {  	[tilespmem:v9+s2+$0x0] =	vst.idx.msk $0xffff, v12  }
0x6a: {  	v8 =	vld.idx.msk [tilespmem:v12+s2+$0x0], $0xffff;
	_ =	sdelay $0x7  }
0x6b: {  	v8 =	vld.idx.msk [tilespmem:v8+s2+$0x0], $0xffff;
	_ =	sdelay $0x4  }
0x6c: {  	vm15 =	vne.s32 v6, v8  }
0x6d: {  	v9 =	vsel vm15, $0x1, v2  }
0x6e: {  	(xrf1) =	vsort.ascd.msk.u32 $0xffff, v9, v9;
	_ =	sdelay $0xd  }
0x6f: {  	v9, _, _ =	vpop (xrf1)  }
0x70: {  	(v2sf) =	vpush v9, $0xF;
	_ =	sdelay $0xe  }
0x71: {  	v10 =	vand.u32 $0x1FFF, v6;
	s19 =	spop (v2sf)  }
0x72: {  	v11 =	vand.u32 $0x1FFF, v8;
	p1 =	seq.s32 s19, $0x0  }
.Ltmp9:
0x73: {  	s31 =	sadd.s32 s16, s17;
	(pc) =	sbr.rel @p1 .LBB2_18-.Ltmp9, $4  }
0x74: {  	s18 =	sshll.u32 s31, $0x5  }
0x75: {  	[tilespmem:v12+s2+$0x0] =	vst.idx.msk $0xffff, v8;
	v12 =	vor.u32 s18, v0  }
0x76: {  	v13 =	vor.u32 s18, v3;
	[tilespmem:v10+s9+$0x0] =	vst.idx.msk $0xffff, v12  }
0x77: {  	[tilespmem:v11+s9+$0x0] =	vst.idx.msk $0xffff, v13  }
0x78: {  	_ =	sdelay $0x3  }
0x79: {  	v10 =	vld.idx.msk [tilespmem:v10+s9+$0x0], $0xffff  }
0x7a: {  	v11 =	vld.idx.msk [tilespmem:v11+s9+$0x0], $0xffff  }
0x7b: {  	v14 =	vld.idx.msk [tilespmem:v6+s2+$0x0], $0xffff  }
0x7c: {  	v15 =	vld.idx.msk [tilespmem:v8+s2+$0x0], $0xffff;
	_ =	sdelay $0x3  }
0x7d: {  	vm0 =	veq.s32 v10, v12  }
0x7e: {  	vm1 =	veq.s32 v11, v13;
	vm2 =	veq.s32 v14, v6;
	vm3 =	veq.s32 v15, v8  }
0x7f: {  	vm0 =	vmand vm0, vm1;
	vm15 =	vmand vm2, vm3  }
0x80: {  	vm0 =	vmand vm0, vm15  }
0x81: {  	v10 =	vsel vm0, $0x1, v2  }
0x82: {  	(xrf1) =	vsort.ascd.msk.u32 $0xffff, v10, v10;
	_ =	sdelay $0xd  }
0x83: {  	v10, _, _ =	vpop (xrf1)  }
0x84: {  	(v2sf) =	vpush v10, $0x0  }
0x85: {  	(v2sf) =	vpush v9, $0x0;
	_ =	sdelay $0xd  }
0x86: {  	s18 =	spop (v2sf)  }
0x87: {  	s19 =	spop (v2sf)  }
0x88: {  	p1 =	seq.s32 s19, $0x0  }
0x89: {  	p2 =	seq.s32 @!p1 s18, $0x0  }
0x8a: {  	p1 =	por p1, p2  }
.Ltmp10:
0x8b: {  	_ = 	snop;
	(pc) =	sbr.rel @!p1 .LBB2_9-.Ltmp10, $1  }
0x8c: {  	_ =	sdelay $0x3  }
.Ltmp11:
0x8d: {  	(pc) =	sbr.rel .LBB2_11-.Ltmp11, $4  }
0x8e: {  	[tilespmem:$0x14600] =	vst v5  }
0x8f: {  	[tilespmem:$0x14610] =	vst v7  }
0x90: {  	[tilespmem:$0x14620] =	vst v6  }
0x91: {  	[tilespmem:$0x14630] =	vst v8;
	s18 =	simm.s32 $0x0  }
.LBB2_16:
0x92: {  	p1 =	seq.s32 s20, s19  }
0x93: {  	v6 =	vor.u32 @!p1 $0x10, v5;
	_ =	sdelay $0x3  }
0x94: {  	s21 =	simm.s32 @!p1 $0x14600  }
0x95: {  	v6 =	vld.idx.msk @!p1 [tilespmem:v6+s21+$0x0], $0xffff  }
0x96: {  	v7 =	vlaneseq.u32 @!p1  }
0x97: {  	v8 =	vmov @!p1 s20;
	v5 =	vld.idx.msk @!p1 [tilespmem:v5+s21+$0x0], $0xffff;
	v7 =	vadd.s32 @!p1 s14, v7  }
0x98: {  	v7 =	vand.u32 @!p1 $0x1FFF, v7;
	_ =	sdelay $0x1  }
0x99: {  	v6 =	vbroadcast @!p1 v6, $0x0  }
0x9a: {  	v9 =	vmov @!p1 s19;
	s19 =	simm.s32 @!p1 $0x0;
	vm0 =	vcmask @!p1 $0x3F04;
	s20 =	simm.s32 @!p1 $0x2  }
0x9b: {  	s20 =	simm.s32 @p1 $0x0;
	[tilespmem:v8+s19+$0x0] =	vst.idx.msk @!p1 $0x1, v9;
	s19 =	simm.s32 @!p1 $0x12600;
	v5 =	vsel @!p1 vm0, v6, v5  }
0x9c: {  	s14 =	sadd.s32 s14, s20;
	[tilespmem:v7+s19+$0x0] =	vst.idx.msk @!p1 $0x3, v5  }
.LBB2_17:
0x9d: {  	s18 =	sadd.s32 $0x1, s18  }
0x9e: {  	p1 =	sne.s32 s18, $0x10  }
.Ltmp12:
0x9f: {  	_ = 	snop;
	(pc) =	sbr.rel @!p1 .LBB2_18-.Ltmp12, $1  }
0xa0: {  	_ =	sdelay $0x3  }
.LBB2_11:
0xa1: {  	v5 =	vmov s18  }
0xa2: {  	v6 =	vor.u32 $0x20, v5  }
0xa3: {  	v8 =	vor.u32 $0x30, v5;
	_ =	sdelay $0x3  }
0xa4: {  	v7 =	vld.idx.msk [tilespmem:v6+s11+$0x0], $0xffff  }
0xa5: {  	v6 =	vld.idx.msk [tilespmem:v8+s11+$0x0], $0xffff;
	_ =	sdelay $0x3  }
0xa6: {  	(v2sf) =	vpush v7, $0x0  }
0xa7: {  	(v2sf) =	vpush v6, $0x0;
	_ =	sdelay $0xd  }
0xa8: {  	s20 =	spop (v2sf)  }
0xa9: {  	s19 =	spop (v2sf)  }
0xaa: {  	p1 =	seq.s32 s20, s19  }
.Ltmp13:
0xab: {  	_ = 	snop;
	(pc) =	sbr.rel @p1 .LBB2_17-.Ltmp13, $1  }
0xac: {  	_ =	sdelay $0x3  }
0xad: {  	v7 =	vbroadcast v7, $0x0;
	_ =	sdelay $0x5  }
0xae: {  	v7 =	vld.idx.msk [tilespmem:v7+s2+$0x0], $0xffff;
	_ =	sdelay $0x4  }
0xaf: {  	(v2sf) =	vpush v7, $0x0;
	_ =	sdelay $0xe  }
0xb0: {  	s21 =	spop (v2sf)  }
0xb1: {  	p1 =	seq.s32 s21, s20  }
.Ltmp14:
0xb2: {  	_ = 	snop;
	(pc) =	sbr.rel @p1 .LBB2_14-.Ltmp14, $1  }
0xb3: {  	_ =	sdelay $0x3  }
.LBB2_13:
0xb4: {  	v7 =	vmov s21;
	_ =	sdelay $0x4  }
0xb5: {  	v7 =	vld.idx.msk [tilespmem:v7+s2+$0x0], $0xffff;
	_ =	sdelay $0x4  }
0xb6: {  	(v2sf) =	vpush v7, $0x0;
	_ =	sdelay $0xe  }
0xb7: {  	s20 =	smov.u32 s21;
	s21 =	spop (v2sf)  }
0xb8: {  	p1 =	sne.s32 s21, s20  }
.Ltmp15:
0xb9: {  	_ = 	snop;
	(pc) =	sbr.rel @p1 .LBB2_13-.Ltmp15, $1  }
0xba: {  	_ =	sdelay $0x3  }
.LBB2_14:
0xbb: {  	v6 =	vbroadcast v6, $0x0;
	_ =	sdelay $0x5  }
0xbc: {  	v6 =	vld.idx.msk [tilespmem:v6+s2+$0x0], $0xffff;
	_ =	sdelay $0x4  }
0xbd: {  	(v2sf) =	vpush v6, $0x0;
	_ =	sdelay $0xe  }
0xbe: {  	s21 =	spop (v2sf)  }
0xbf: {  	p1 =	seq.s32 s21, s19  }
.Ltmp16:
0xc0: {  	_ = 	snop;
	(pc) =	sbr.rel @p1 .LBB2_16-.Ltmp16, $1  }
0xc1: {  	_ =	sdelay $0x3  }
.LBB2_15:
0xc2: {  	v6 =	vmov s21;
	_ =	sdelay $0x4  }
0xc3: {  	v6 =	vld.idx.msk [tilespmem:v6+s2+$0x0], $0xffff;
	_ =	sdelay $0x4  }
0xc4: {  	(v2sf) =	vpush v6, $0x0;
	_ =	sdelay $0xe  }
0xc5: {  	s19 =	smov.u32 s21;
	s21 =	spop (v2sf)  }
0xc6: {  	p1 =	sne.s32 s21, s19  }
.Ltmp17:
0xc7: {  	_ = 	snop;
	(pc) =	sbr.rel @p1 .LBB2_15-.Ltmp17, $1  }
0xc8: {  	_ =	sdelay $0x3  }
.Ltmp18:
0xc9: {  	_ = 	snop;
	(pc) =	sbr.rel .LBB2_16-.Ltmp18, $1  }
0xca: {  	_ =	sdelay $0x3  }
.Lfunc_end2:
_tile_overlayer_lowered:
.L_overlay_start_2:
0xcb: {  	(tag) =	ssettag $0x2  }
0xcc: {  	s0 =	rddreg [dreg:$0x0];
	s2 =	stileid.u32  }
0xcd: {  	s1 =	rddreg [dreg:$0x1];
	p0 =	sne.s32 s2, $0x0  }
0xce: {  	s3 =	rddreg [dreg:$0x2];
	[bflag:$0x3] =	sbarrier.arrive $0xFFFF;
	s2 =	simm.s32 @!p0 $0x1C01  }
0xcf: {  	[timem:s3], [sflag:s2] =	dma.local @!p0 [hbm:s0], s1  }
0xd0: {  	s0 =	simm.s32 @!p0 $0x1  }
0xd1: {  	_ =	swait.ge @!p0 [sflag:s0], s1  }
0xd2: {  	s1 =	ssub.s32 @!p0 $0x0, s1;
	[sflag:s0] =	ssyncset.done @!p0 $0x0  }
0xd3: {  	[sflag:s0] =	ssyncadd.s32 @!p0 s1  }
0xd4: {  	[bflag:$0x3] =	sbarrier.arrive $0xFFFF  }
0xd5: {  	_ =	shalt  }

</sc_bundles>
